<compile_context>
chip_gen: v7x
topology: tpu7x:2x2x1
jax: 0.10.2.dev20260603
libtpu: 0.0.44.dev20260713+nightly
codegen_flags: <defaults>
</compile_context>

<pallas_src>
import functools
import math

import jax
import jax.numpy as jnp
from jax import lax
from jax.experimental import pallas as pl
from jax.experimental.pallas import tpu as pltpu
from jax.experimental.pallas import tpu_sc as plsc

SMOOTH = 0.1
CONF = 1.0 - SMOOTH
SEQ = 2048
VOCAB = 32000
TILE = 3200
NT = VOCAB // TILE
EPS = SMOOTH / (VOCAB - 2)
KCONST = CONF * math.log(CONF) + (VOCAB - 2) * EPS * math.log(EPS)

NC, NS, L = 1, 16, 16
NW = NC * NS
RPW = SEQ // NW
ROWS_PER_SEQ = VOCAB // L


def _sc_gather_body(t_hbm, xf_hbm, g_hbm, t_v, idx_v, data_v, out_v, sem):
    wid = lax.axis_index("s") * NC + lax.axis_index("c")
    base = wid * RPW
    pltpu.sync_copy(t_hbm.at[pl.ds(base, RPW)], t_v)
    for k in range(RPW // L):
        tt = t_v[pl.ds(k * L, L)]
        ii = lax.iota(jnp.int32, L) + (base + k * L)
        idx_v[pl.ds(k * L, L)] = ii * VOCAB + tt
    pltpu.async_copy(xf_hbm.at[idx_v], data_v, sem).wait()
    for k in range(RPW // L):
        tt = t_v[pl.ds(k * L, L)]
        vals = data_v[pl.ds(k * L, L)]
        scaled = vals * jnp.full((L,), EPS - CONF, jnp.float32)
        out_v[pl.ds(k * L, L)] = jnp.where(
            tt != jnp.zeros((L,), jnp.int32), scaled, jnp.zeros((L,), jnp.float32)
        )
    pltpu.sync_copy(out_v, g_hbm.at[pl.ds(base, RPW)])


_sc_gather = functools.partial(
    pl.kernel,
    mesh=plsc.VectorSubcoreMesh(core_axis_name="c", subcore_axis_name="s", num_cores=1),
    out_type=jax.ShapeDtypeStruct((SEQ,), jnp.float32),
    scratch_types=[
        pltpu.VMEM((RPW,), jnp.int32),
        pltpu.VMEM((RPW,), jnp.int32),
        pltpu.VMEM((RPW,), jnp.float32),
        pltpu.VMEM((RPW,), jnp.float32),
        pltpu.SemaphoreType.DMA,
    ],
)(_sc_gather_body)


def _tc_body(t_ref, g_ref, x_ref, out_ref):
    j = pl.program_id(0)
    t = t_ref[:, :1]
    m = (t != 0).astype(jnp.float32)
    x = x_ref[...]
    s = jnp.sum(x, axis=1, keepdims=True)

    @pl.when(j == 0)
    def _():
        out_ref[0, 0] = (
            KCONST * jnp.sum(m)
            + jnp.sum(g_ref[...])
            + EPS * jnp.sum(x[:, :1] * m)
        )

    out_ref[0, 0] += -EPS * jnp.sum(s * m)


def kernel(x, target_sequence):
    x2 = x.reshape(SEQ, VOCAB)
    xf = x.reshape(SEQ * VOCAB)
    t1 = target_sequence.astype(jnp.int32)
    g = _sc_gather(t1, xf)
    return jnp.sum(g)
    out = pl.pallas_call(
        _tc_body,
        grid=(NT,),
        in_specs=[
            pl.BlockSpec((SEQ, 1), lambda j: (0, 0)),
            pl.BlockSpec((SEQ, 1), lambda j: (0, 0)),
            pl.BlockSpec((SEQ, TILE), lambda j: (0, j)),
        ],
        out_specs=pl.BlockSpec(memory_space=pltpu.SMEM),
        out_shape=jax.ShapeDtypeStruct((1, 1), jnp.float32),
    )(t1.reshape(SEQ, 1), g.reshape(SEQ, 1), x2)
    return out[0, 0]

# --- scband reference (transcript-rebuilt; emitter-appended) ---
"""Pipeline reference for scband-label-smoothing-50620484551249 (READ-ONLY COPY).

The authoritative reference and input builder live on the scoring server;
editing this copy changes nothing except your own understanding.
"""

import jax, jax.numpy as jnp
import numpy as np

SMOOTHING = 0.1
CONFIDENCE = 1.0 - SMOOTHING

def setup_inputs(seed: int = 0) -> dict:
    key = jax.random.key(seed)
    k1, k2 = jax.random.split(key)
    x = jax.random.normal(k1, (1, 2048, 32000), dtype=jnp.float32)
    target_sequence = jax.random.randint(k2, (2048,), 0, 32000, dtype=jnp.int64)
    return {"x": x, "target_sequence": target_sequence}

def reference(x, target_sequence):
    # x: (batch, seq, vocab) log-probabilities; true_dist built from x[0]'s shape
    seq = x.shape[1]
    size = x.shape[2]
    # true_dist = x.data.clone()[0]; fill_(smoothing / (size - 2))
    true_dist = jnp.full((seq, size), SMOOTHING / (size - 2), dtype=x.dtype)
    # scatter_(1, target.unsqueeze(1), confidence)
    true_dist = true_dist.at[jnp.arange(seq), target_sequence].set(CONFIDENCE)
    # true_dist[:, 0] = 0
    true_dist = true_dist.at[:, 0].set(0.0)
    # index_fill_(0, nonzero(target == 0).squeeze(), 0.0) -> zero rows where target==0
    pad_mask = (target_sequence == 0)
    true_dist = jnp.where(pad_mask[:, None], 0.0, true_dist)
    # KLDivLoss(reduction='sum'): sum target * (log(target) - input), 0*log(0)=0
    # broadcasts true_dist (seq, vocab) against x (batch, seq, vocab)
    kl = jnp.where(true_dist > 0, true_dist * (jnp.log(jnp.where(true_dist > 0, true_dist, 1.0)) - x), 0.0)
    return jnp.sum(kl)

if __name__ == "__main__":
    import jax
    _d = setup_inputs()
    print(jax.jit(kernel)(*tuple(_d.values())))

</pallas_src>

<mosaic_0001>
#map = affine_map<(d0, d1) -> (0)>
module attributes {stable_mosaic.version = 14 : i64} {
  func.func @_sc_gather_body(%arg0: i32, %arg1: i32, %arg2: memref<2048xi32, #tpu.memory_space<hbm>>, %arg3: memref<65536000xf32, #tpu.memory_space<hbm>>, %arg4: memref<2048xf32, #tpu.memory_space<hbm>>, %arg5: memref<128xi32, #tpu.memory_space<vmem>>, %arg6: memref<128xi32, #tpu.memory_space<vmem>>, %arg7: memref<128xf32, #tpu.memory_space<vmem>>, %arg8: memref<128xf32, #tpu.memory_space<vmem>>, %arg9: memref<!tpu.dma_semaphore, #tpu.memory_space<semaphore_mem>>) attributes {dimension_semantics = [#tpu.dimension_semantics<core_parallel>, #tpu.dimension_semantics<subcore_parallel>], iteration_bounds = array<i64: 1, 16>, scalar_prefetch = 0 : i64, scratch_operands = 5 : i64, tpu.core_type = #tpu.core_type<sc_vector_subcore>, window_params = [{transform_indices = #map}, {transform_indices = #map}, {transform_indices = #map}]} {
    %mul3A = arith.constant 1 : i32
    %mul3A_0 = arith.muli %arg1, %mul3A : i32
    %add3A = arith.addi %mul3A_0, %arg0 : i32
    %mul3A_1 = arith.constant 128 : i32
    %mul3A_2 = arith.muli %add3A, %mul3A_1 : i32
    "tpu.region"() ({
      %run_scoped3A = tpu.sem_alloc : memref<!tpu.dma_semaphore, #tpu.memory_space<semaphore_mem>>
      %dma_start3A_279 = tpu.memref_slice %arg2[%mul3A_2] : memref<2048xi32, #tpu.memory_space<hbm>> -> memref<128xi32, #tpu.memory_space<hbm>>
      %dma_start3A_280 = tpu.memref_slice %arg2[%mul3A_2] : memref<2048xi32, #tpu.memory_space<hbm>> -> memref<128xi32, #tpu.memory_space<hbm>>
      tpu.enqueue_dma source(%dma_start3A_280 : memref<128xi32, #tpu.memory_space<hbm>>) target(%arg5 : memref<128xi32, #tpu.memory_space<vmem>>) target_semaphore(%run_scoped3A : memref<!tpu.dma_semaphore, #tpu.memory_space<semaphore_mem>>)
      %dma_wait3A_281 = tpu.memref_slice %arg2[%mul3A_2] : memref<2048xi32, #tpu.memory_space<hbm>> -> memref<128xi32, #tpu.memory_space<hbm>>
      %dma_wait3A_282 = tpu.memref_slice %arg2[%mul3A_2] : memref<2048xi32, #tpu.memory_space<hbm>> -> memref<128xi32, #tpu.memory_space<hbm>>
      tpu.wait_dma2 semaphore(%run_scoped3A : memref<!tpu.dma_semaphore, #tpu.memory_space<semaphore_mem>>) src(%dma_wait3A_282 : memref<128xi32, #tpu.memory_space<hbm>>) dst(%arg5 : memref<128xi32, #tpu.memory_space<vmem>>)
      tpu.yield
    }) : () -> ()
    %get3A = arith.constant 0 : index
    %get3A_3 = tpu.vector_load %arg5[%get3A] {strides = array<i32>} : memref<128xi32, #tpu.memory_space<vmem>>, vector<16xi32>,
    %get3A_4 = vector.shape_cast %get3A_3 : vector<16xi32> to vector<16xi32>
    %iota3A = tpu.iota {dimensions = array<i32: 0>} : vector<16xi32>
    %add3A_5 = arith.constant 0 : i32
    %add3A_6 = arith.addi %mul3A_2, %add3A_5 : i32
    %add3A_7 = vector.broadcast %add3A_6 : i32 to vector<16xi32>
    %add3A_8 = arith.addi %iota3A, %add3A_7 : vector<16xi32>
    %mul3A_9 = arith.constant 32000 : i32
    %mul3A_10 = vector.broadcast %mul3A_9 : i32 to vector<16xi32>
    %mul3A_11 = arith.muli %add3A_8, %mul3A_10 : vector<16xi32>
    %add3A_12 = arith.addi %mul3A_11, %get3A_4 : vector<16xi32>
    %swap3A = arith.constant 0 : index
    %swap3A_13 = tpu.vector_load %arg6[%swap3A] {strides = array<i32>} : memref<128xi32, #tpu.memory_space<vmem>>, vector<16xi32>,
    %swap3A_14 = vector.shape_cast %swap3A_13 : vector<16xi32> to vector<16xi32>
    %swap3A_15 = vector.shape_cast %add3A_12 : vector<16xi32> to vector<16xi32>
    tpu.vector_store %arg6[%swap3A], %swap3A_15 {strides = array<i32>} : memref<128xi32, #tpu.memory_space<vmem>>, vector<16xi32>,
    %get3A_16 = arith.constant 16 : index
    %get3A_17 = tpu.vector_load %arg5[%get3A_16] {strides = array<i32>} : memref<128xi32, #tpu.memory_space<vmem>>, vector<16xi32>,
    %get3A_18 = vector.shape_cast %get3A_17 : vector<16xi32> to vector<16xi32>
    %iota3A_19 = tpu.iota {dimensions = array<i32: 0>} : vector<16xi32>
    %add3A_20 = arith.constant 16 : i32
    %add3A_21 = arith.addi %mul3A_2, %add3A_20 : i32
    %add3A_22 = vector.broadcast %add3A_21 : i32 to vector<16xi32>
    %add3A_23 = arith.addi %iota3A_19, %add3A_22 : vector<16xi32>
    %mul3A_24 = arith.constant 32000 : i32
    %mul3A_25 = vector.broadcast %mul3A_24 : i32 to vector<16xi32>
    %mul3A_26 = arith.muli %add3A_23, %mul3A_25 : vector<16xi32>
    %add3A_27 = arith.addi %mul3A_26, %get3A_18 : vector<16xi32>
    %swap3A_28 = arith.constant 16 : index
    %swap3A_29 = tpu.vector_load %arg6[%swap3A_28] {strides = array<i32>} : memref<128xi32, #tpu.memory_space<vmem>>, vector<16xi32>,
    %swap3A_30 = vector.shape_cast %swap3A_29 : vector<16xi32> to vector<16xi32>
    %swap3A_31 = vector.shape_cast %add3A_27 : vector<16xi32> to vector<16xi32>
    tpu.vector_store %arg6[%swap3A_28], %swap3A_31 {strides = array<i32>} : memref<128xi32, #tpu.memory_space<vmem>>, vector<16xi32>,
    %get3A_32 = arith.constant 32 : index
    %get3A_33 = tpu.vector_load %arg5[%get3A_32] {strides = array<i32>} : memref<128xi32, #tpu.memory_space<vmem>>, vector<16xi32>,
    %get3A_34 = vector.shape_cast %get3A_33 : vector<16xi32> to vector<16xi32>
    %iota3A_35 = tpu.iota {dimensions = array<i32: 0>} : vector<16xi32>
    %add3A_36 = arith.constant 32 : i32
    %add3A_37 = arith.addi %mul3A_2, %add3A_36 : i32
    %add3A_38 = vector.broadcast %add3A_37 : i32 to vector<16xi32>
    %add3A_39 = arith.addi %iota3A_35, %add3A_38 : vector<16xi32>
    %mul3A_40 = arith.constant 32000 : i32
    %mul3A_41 = vector.broadcast %mul3A_40 : i32 to vector<16xi32>
    %mul3A_42 = arith.muli %add3A_39, %mul3A_41 : vector<16xi32>
    %add3A_43 = arith.addi %mul3A_42, %get3A_34 : vector<16xi32>
    %swap3A_44 = arith.constant 32 : index
    %swap3A_45 = tpu.vector_load %arg6[%swap3A_44] {strides = array<i32>} : memref<128xi32, #tpu.memory_space<vmem>>, vector<16xi32>,
    %swap3A_46 = vector.shape_cast %swap3A_45 : vector<16xi32> to vector<16xi32>
    %swap3A_47 = vector.shape_cast %add3A_43 : vector<16xi32> to vector<16xi32>
    tpu.vector_store %arg6[%swap3A_44], %swap3A_47 {strides = array<i32>} : memref<128xi32, #tpu.memory_space<vmem>>, vector<16xi32>,
    %get3A_48 = arith.constant 48 : index
    %get3A_49 = tpu.vector_load %arg5[%get3A_48] {strides = array<i32>} : memref<128xi32, #tpu.memory_space<vmem>>, vector<16xi32>,
    %get3A_50 = vector.shape_cast %get3A_49 : vector<16xi32> to vector<16xi32>
    %iota3A_51 = tpu.iota {dimensions = array<i32: 0>} : vector<16xi32>
    %add3A_52 = arith.constant 48 : i32
    %add3A_53 = arith.addi %mul3A_2, %add3A_52 : i32
    %add3A_54 = vector.broadcast %add3A_53 : i32 to vector<16xi32>
    %add3A_55 = arith.addi %iota3A_51, %add3A_54 : vector<16xi32>
    %mul3A_56 = arith.constant 32000 : i32
    %mul3A_57 = vector.broadcast %mul3A_56 : i32 to vector<16xi32>
    %mul3A_58 = arith.muli %add3A_55, %mul3A_57 : vector<16xi32>
    %add3A_59 = arith.addi %mul3A_58, %get3A_50 : vector<16xi32>
    %swap3A_60 = arith.constant 48 : index
    %swap3A_61 = tpu.vector_load %arg6[%swap3A_60] {strides = array<i32>} : memref<128xi32, #tpu.memory_space<vmem>>, vector<16xi32>,
    %swap3A_62 = vector.shape_cast %swap3A_61 : vector<16xi32> to vector<16xi32>
    %swap3A_63 = vector.shape_cast %add3A_59 : vector<16xi32> to vector<16xi32>
    tpu.vector_store %arg6[%swap3A_60], %swap3A_63 {strides = array<i32>} : memref<128xi32, #tpu.memory_space<vmem>>, vector<16xi32>,
    %get3A_64 = arith.constant 64 : index
    %get3A_65 = tpu.vector_load %arg5[%get3A_64] {strides = array<i32>} : memref<128xi32, #tpu.memory_space<vmem>>, vector<16xi32>,
    %get3A_66 = vector.shape_cast %get3A_65 : vector<16xi32> to vector<16xi32>
    %iota3A_67 = tpu.iota {dimensions = array<i32: 0>} : vector<16xi32>
    %add3A_68 = arith.constant 64 : i32
    %add3A_69 = arith.addi %mul3A_2, %add3A_68 : i32
    %add3A_70 = vector.broadcast %add3A_69 : i32 to vector<16xi32>
    %add3A_71 = arith.addi %iota3A_67, %add3A_70 : vector<16xi32>
    %mul3A_72 = arith.constant 32000 : i32
    %mul3A_73 = vector.broadcast %mul3A_72 : i32 to vector<16xi32>
    %mul3A_74 = arith.muli %add3A_71, %mul3A_73 : vector<16xi32>
    %add3A_75 = arith.addi %mul3A_74, %get3A_66 : vector<16xi32>
    %swap3A_76 = arith.constant 64 : index
    %swap3A_77 = tpu.vector_load %arg6[%swap3A_76] {strides = array<i32>} : memref<128xi32, #tpu.memory_space<vmem>>, vector<16xi32>,
    %swap3A_78 = vector.shape_cast %swap3A_77 : vector<16xi32> to vector<16xi32>
    %swap3A_79 = vector.shape_cast %add3A_75 : vector<16xi32> to vector<16xi32>
    tpu.vector_store %arg6[%swap3A_76], %swap3A_79 {strides = array<i32>} : memref<128xi32, #tpu.memory_space<vmem>>, vector<16xi32>,
    %get3A_80 = arith.constant 80 : index
    %get3A_81 = tpu.vector_load %arg5[%get3A_80] {strides = array<i32>} : memref<128xi32, #tpu.memory_space<vmem>>, vector<16xi32>,
    %get3A_82 = vector.shape_cast %get3A_81 : vector<16xi32> to vector<16xi32>
    %iota3A_83 = tpu.iota {dimensions = array<i32: 0>} : vector<16xi32>
    %add3A_84 = arith.constant 80 : i32
    %add3A_85 = arith.addi %mul3A_2, %add3A_84 : i32
    %add3A_86 = vector.broadcast %add3A_85 : i32 to vector<16xi32>
    %add3A_87 = arith.addi %iota3A_83, %add3A_86 : vector<16xi32>
    %mul3A_88 = arith.constant 32000 : i32
    %mul3A_89 = vector.broadcast %mul3A_88 : i32 to vector<16xi32>
    %mul3A_90 = arith.muli %add3A_87, %mul3A_89 : vector<16xi32>
    %add3A_91 = arith.addi %mul3A_90, %get3A_82 : vector<16xi32>
    %swap3A_92 = arith.constant 80 : index
    %swap3A_93 = tpu.vector_load %arg6[%swap3A_92] {strides = array<i32>} : memref<128xi32, #tpu.memory_space<vmem>>, vector<16xi32>,
    %swap3A_94 = vector.shape_cast %swap3A_93 : vector<16xi32> to vector<16xi32>
    %swap3A_95 = vector.shape_cast %add3A_91 : vector<16xi32> to vector<16xi32>
    tpu.vector_store %arg6[%swap3A_92], %swap3A_95 {strides = array<i32>} : memref<128xi32, #tpu.memory_space<vmem>>, vector<16xi32>,
    %get3A_96 = arith.constant 96 : index
    %get3A_97 = tpu.vector_load %arg5[%get3A_96] {strides = array<i32>} : memref<128xi32, #tpu.memory_space<vmem>>, vector<16xi32>,
    %get3A_98 = vector.shape_cast %get3A_97 : vector<16xi32> to vector<16xi32>
    %iota3A_99 = tpu.iota {dimensions = array<i32: 0>} : vector<16xi32>
    %add3A_100 = arith.constant 96 : i32
    %add3A_101 = arith.addi %mul3A_2, %add3A_100 : i32
    %add3A_102 = vector.broadcast %add3A_101 : i32 to vector<16xi32>
    %add3A_103 = arith.addi %iota3A_99, %add3A_102 : vector<16xi32>
    %mul3A_104 = arith.constant 32000 : i32
    %mul3A_105 = vector.broadcast %mul3A_104 : i32 to vector<16xi32>
    %mul3A_106 = arith.muli %add3A_103, %mul3A_105 : vector<16xi32>
    %add3A_107 = arith.addi %mul3A_106, %get3A_98 : vector<16xi32>
    %swap3A_108 = arith.constant 96 : index
    %swap3A_109 = tpu.vector_load %arg6[%swap3A_108] {strides = array<i32>} : memref<128xi32, #tpu.memory_space<vmem>>, vector<16xi32>,
    %swap3A_110 = vector.shape_cast %swap3A_109 : vector<16xi32> to vector<16xi32>
    %swap3A_111 = vector.shape_cast %add3A_107 : vector<16xi32> to vector<16xi32>
    tpu.vector_store %arg6[%swap3A_108], %swap3A_111 {strides = array<i32>} : memref<128xi32, #tpu.memory_space<vmem>>, vector<16xi32>,
    %get3A_112 = arith.constant 112 : index
    %get3A_113 = tpu.vector_load %arg5[%get3A_112] {strides = array<i32>} : memref<128xi32, #tpu.memory_space<vmem>>, vector<16xi32>,
    %get3A_114 = vector.shape_cast %get3A_113 : vector<16xi32> to vector<16xi32>
    %iota3A_115 = tpu.iota {dimensions = array<i32: 0>} : vector<16xi32>
    %add3A_116 = arith.constant 112 : i32
    %add3A_117 = arith.addi %mul3A_2, %add3A_116 : i32
    %add3A_118 = vector.broadcast %add3A_117 : i32 to vector<16xi32>
    %add3A_119 = arith.addi %iota3A_115, %add3A_118 : vector<16xi32>
    %mul3A_120 = arith.constant 32000 : i32
    %mul3A_121 = vector.broadcast %mul3A_120 : i32 to vector<16xi32>
    %mul3A_122 = arith.muli %add3A_119, %mul3A_121 : vector<16xi32>
    %add3A_123 = arith.addi %mul3A_122, %get3A_114 : vector<16xi32>
    %swap3A_124 = arith.constant 112 : index
    %swap3A_125 = tpu.vector_load %arg6[%swap3A_124] {strides = array<i32>} : memref<128xi32, #tpu.memory_space<vmem>>, vector<16xi32>,
    %swap3A_126 = vector.shape_cast %swap3A_125 : vector<16xi32> to vector<16xi32>
    %swap3A_127 = vector.shape_cast %add3A_123 : vector<16xi32> to vector<16xi32>
    tpu.vector_store %arg6[%swap3A_124], %swap3A_127 {strides = array<i32>} : memref<128xi32, #tpu.memory_space<vmem>>, vector<16xi32>,
    %dma_start3A = arith.constant 0 : i32
    %dma_start3A_128 = tpu.memref_slice %arg3[%dma_start3A] : memref<65536000xf32, #tpu.memory_space<hbm>> -> memref<65536000xf32, #tpu.memory_space<hbm>>
    tpu.enqueue_indirect_dma source(%dma_start3A_128 : memref<65536000xf32, #tpu.memory_space<hbm>>) target(%arg7 : memref<128xf32, #tpu.memory_space<vmem>>) offsets(%arg6 : memref<128xi32, #tpu.memory_space<vmem>>) semaphore(%arg9 : memref<!tpu.dma_semaphore, #tpu.memory_space<semaphore_mem>>)
    %dma_wait3A = arith.constant 0 : i32
    %dma_wait3A_129 = tpu.memref_slice %arg3[%dma_wait3A] : memref<65536000xf32, #tpu.memory_space<hbm>> -> memref<65536000xf32, #tpu.memory_space<hbm>>
    tpu.wait_indirect_dma semaphore(%arg9 : memref<!tpu.dma_semaphore, #tpu.memory_space<semaphore_mem>>) src(%dma_wait3A_129 : memref<65536000xf32, #tpu.memory_space<hbm>>) dst(%arg7 : memref<128xf32, #tpu.memory_space<vmem>>)
    %get3A_130 = arith.constant 0 : index
    %get3A_131 = tpu.vector_load %arg5[%get3A_130] {strides = array<i32>} : memref<128xi32, #tpu.memory_space<vmem>>, vector<16xi32>,
    %get3A_132 = vector.shape_cast %get3A_131 : vector<16xi32> to vector<16xi32>
    %get3A_133 = arith.constant 0 : index
    %get3A_134 = tpu.vector_load %arg7[%get3A_133] {strides = array<i32>} : memref<128xf32, #tpu.memory_space<vmem>>, vector<16xf32>,
    %get3A_135 = vector.shape_cast %get3A_134 : vector<16xf32> to vector<16xf32>
    %broadcast_in_dim3A = arith.constant -0.899996876 : f32
    %broadcast_in_dim3A_136 = vector.broadcast %broadcast_in_dim3A : f32 to vector<16xf32>
    %mul3A_137 = arith.mulf %get3A_135, %broadcast_in_dim3A_136 : vector<16xf32>
    %broadcast_in_dim3A_138 = arith.constant 0 : i32
    %broadcast_in_dim3A_139 = vector.broadcast %broadcast_in_dim3A_138 : i32 to vector<16xi32>
    %ne3A = arith.cmpi ne, %get3A_132, %broadcast_in_dim3A_139 : vector<16xi32>
    %broadcast_in_dim3A_140 = arith.constant 0.000000e+00 : f32
    %broadcast_in_dim3A_141 = vector.broadcast %broadcast_in_dim3A_140 : f32 to vector<16xf32>
    %select_n3A = arith.select %ne3A, %mul3A_137, %broadcast_in_dim3A_141 : vector<16xi1>, vector<16xf32>
    %swap3A_142 = arith.constant 0 : index
    %swap3A_143 = tpu.vector_load %arg8[%swap3A_142] {strides = array<i32>} : memref<128xf32, #tpu.memory_space<vmem>>, vector<16xf32>,
    %swap3A_144 = vector.shape_cast %swap3A_143 : vector<16xf32> to vector<16xf32>
    %swap3A_145 = vector.shape_cast %select_n3A : vector<16xf32> to vector<16xf32>
    tpu.vector_store %arg8[%swap3A_142], %swap3A_145 {strides = array<i32>} : memref<128xf32, #tpu.memory_space<vmem>>, vector<16xf32>,
    %get3A_146 = arith.constant 16 : index
    %get3A_147 = tpu.vector_load %arg5[%get3A_146] {strides = array<i32>} : memref<128xi32, #tpu.memory_space<vmem>>, vector<16xi32>,
    %get3A_148 = vector.shape_cast %get3A_147 : vector<16xi32> to vector<16xi32>
    %get3A_149 = arith.constant 16 : index
    %get3A_150 = tpu.vector_load %arg7[%get3A_149] {strides = array<i32>} : memref<128xf32, #tpu.memory_space<vmem>>, vector<16xf32>,
    %get3A_151 = vector.shape_cast %get3A_150 : vector<16xf32> to vector<16xf32>
    %broadcast_in_dim3A_152 = arith.constant -0.899996876 : f32
    %broadcast_in_dim3A_153 = vector.broadcast %broadcast_in_dim3A_152 : f32 to vector<16xf32>
    %mul3A_154 = arith.mulf %get3A_151, %broadcast_in_dim3A_153 : vector<16xf32>
    %broadcast_in_dim3A_155 = arith.constant 0 : i32
    %broadcast_in_dim3A_156 = vector.broadcast %broadcast_in_dim3A_155 : i32 to vector<16xi32>
    %ne3A_157 = arith.cmpi ne, %get3A_148, %broadcast_in_dim3A_156 : vector<16xi32>
    %broadcast_in_dim3A_158 = arith.constant 0.000000e+00 : f32
    %broadcast_in_dim3A_159 = vector.broadcast %broadcast_in_dim3A_158 : f32 to vector<16xf32>
    %select_n3A_160 = arith.select %ne3A_157, %mul3A_154, %broadcast_in_dim3A_159 : vector<16xi1>, vector<16xf32>
    %swap3A_161 = arith.constant 16 : index
    %swap3A_162 = tpu.vector_load %arg8[%swap3A_161] {strides = array<i32>} : memref<128xf32, #tpu.memory_space<vmem>>, vector<16xf32>,
    %swap3A_163 = vector.shape_cast %swap3A_162 : vector<16xf32> to vector<16xf32>
    %swap3A_164 = vector.shape_cast %select_n3A_160 : vector<16xf32> to vector<16xf32>
    tpu.vector_store %arg8[%swap3A_161], %swap3A_164 {strides = array<i32>} : memref<128xf32, #tpu.memory_space<vmem>>, vector<16xf32>,
    %get3A_165 = arith.constant 32 : index
    %get3A_166 = tpu.vector_load %arg5[%get3A_165] {strides = array<i32>} : memref<128xi32, #tpu.memory_space<vmem>>, vector<16xi32>,
    %get3A_167 = vector.shape_cast %get3A_166 : vector<16xi32> to vector<16xi32>
    %get3A_168 = arith.constant 32 : index
    %get3A_169 = tpu.vector_load %arg7[%get3A_168] {strides = array<i32>} : memref<128xf32, #tpu.memory_space<vmem>>, vector<16xf32>,
    %get3A_170 = vector.shape_cast %get3A_169 : vector<16xf32> to vector<16xf32>
    %broadcast_in_dim3A_171 = arith.constant -0.899996876 : f32
    %broadcast_in_dim3A_172 = vector.broadcast %broadcast_in_dim3A_171 : f32 to vector<16xf32>
    %mul3A_173 = arith.mulf %get3A_170, %broadcast_in_dim3A_172 : vector<16xf32>
    %broadcast_in_dim3A_174 = arith.constant 0 : i32
    %broadcast_in_dim3A_175 = vector.broadcast %broadcast_in_dim3A_174 : i32 to vector<16xi32>
    %ne3A_176 = arith.cmpi ne, %get3A_167, %broadcast_in_dim3A_175 : vector<16xi32>
    %broadcast_in_dim3A_177 = arith.constant 0.000000e+00 : f32
    %broadcast_in_dim3A_178 = vector.broadcast %broadcast_in_dim3A_177 : f32 to vector<16xf32>
    %select_n3A_179 = arith.select %ne3A_176, %mul3A_173, %broadcast_in_dim3A_178 : vector<16xi1>, vector<16xf32>
    %swap3A_180 = arith.constant 32 : index
    %swap3A_181 = tpu.vector_load %arg8[%swap3A_180] {strides = array<i32>} : memref<128xf32, #tpu.memory_space<vmem>>, vector<16xf32>,
    %swap3A_182 = vector.shape_cast %swap3A_181 : vector<16xf32> to vector<16xf32>
    %swap3A_183 = vector.shape_cast %select_n3A_179 : vector<16xf32> to vector<16xf32>
    tpu.vector_store %arg8[%swap3A_180], %swap3A_183 {strides = array<i32>} : memref<128xf32, #tpu.memory_space<vmem>>, vector<16xf32>,
    %get3A_184 = arith.constant 48 : index
    %get3A_185 = tpu.vector_load %arg5[%get3A_184] {strides = array<i32>} : memref<128xi32, #tpu.memory_space<vmem>>, vector<16xi32>,
    %get3A_186 = vector.shape_cast %get3A_185 : vector<16xi32> to vector<16xi32>
    %get3A_187 = arith.constant 48 : index
    %get3A_188 = tpu.vector_load %arg7[%get3A_187] {strides = array<i32>} : memref<128xf32, #tpu.memory_space<vmem>>, vector<16xf32>,
    %get3A_189 = vector.shape_cast %get3A_188 : vector<16xf32> to vector<16xf32>
    %broadcast_in_dim3A_190 = arith.constant -0.899996876 : f32
    %broadcast_in_dim3A_191 = vector.broadcast %broadcast_in_dim3A_190 : f32 to vector<16xf32>
    %mul3A_192 = arith.mulf %get3A_189, %broadcast_in_dim3A_191 : vector<16xf32>
    %broadcast_in_dim3A_193 = arith.constant 0 : i32
    %broadcast_in_dim3A_194 = vector.broadcast %broadcast_in_dim3A_193 : i32 to vector<16xi32>
    %ne3A_195 = arith.cmpi ne, %get3A_186, %broadcast_in_dim3A_194 : vector<16xi32>
    %broadcast_in_dim3A_196 = arith.constant 0.000000e+00 : f32
    %broadcast_in_dim3A_197 = vector.broadcast %broadcast_in_dim3A_196 : f32 to vector<16xf32>
    %select_n3A_198 = arith.select %ne3A_195, %mul3A_192, %broadcast_in_dim3A_197 : vector<16xi1>, vector<16xf32>
    %swap3A_199 = arith.constant 48 : index
    %swap3A_200 = tpu.vector_load %arg8[%swap3A_199] {strides = array<i32>} : memref<128xf32, #tpu.memory_space<vmem>>, vector<16xf32>,
    %swap3A_201 = vector.shape_cast %swap3A_200 : vector<16xf32> to vector<16xf32>
    %swap3A_202 = vector.shape_cast %select_n3A_198 : vector<16xf32> to vector<16xf32>
    tpu.vector_store %arg8[%swap3A_199], %swap3A_202 {strides = array<i32>} : memref<128xf32, #tpu.memory_space<vmem>>, vector<16xf32>,
    %get3A_203 = arith.constant 64 : index
    %get3A_204 = tpu.vector_load %arg5[%get3A_203] {strides = array<i32>} : memref<128xi32, #tpu.memory_space<vmem>>, vector<16xi32>,
    %get3A_205 = vector.shape_cast %get3A_204 : vector<16xi32> to vector<16xi32>
    %get3A_206 = arith.constant 64 : index
    %get3A_207 = tpu.vector_load %arg7[%get3A_206] {strides = array<i32>} : memref<128xf32, #tpu.memory_space<vmem>>, vector<16xf32>,
    %get3A_208 = vector.shape_cast %get3A_207 : vector<16xf32> to vector<16xf32>
    %broadcast_in_dim3A_209 = arith.constant -0.899996876 : f32
    %broadcast_in_dim3A_210 = vector.broadcast %broadcast_in_dim3A_209 : f32 to vector<16xf32>
    %mul3A_211 = arith.mulf %get3A_208, %broadcast_in_dim3A_210 : vector<16xf32>
    %broadcast_in_dim3A_212 = arith.constant 0 : i32
    %broadcast_in_dim3A_213 = vector.broadcast %broadcast_in_dim3A_212 : i32 to vector<16xi32>
    %ne3A_214 = arith.cmpi ne, %get3A_205, %broadcast_in_dim3A_213 : vector<16xi32>
    %broadcast_in_dim3A_215 = arith.constant 0.000000e+00 : f32
    %broadcast_in_dim3A_216 = vector.broadcast %broadcast_in_dim3A_215 : f32 to vector<16xf32>
    %select_n3A_217 = arith.select %ne3A_214, %mul3A_211, %broadcast_in_dim3A_216 : vector<16xi1>, vector<16xf32>
    %swap3A_218 = arith.constant 64 : index
    %swap3A_219 = tpu.vector_load %arg8[%swap3A_218] {strides = array<i32>} : memref<128xf32, #tpu.memory_space<vmem>>, vector<16xf32>,
    %swap3A_220 = vector.shape_cast %swap3A_219 : vector<16xf32> to vector<16xf32>
    %swap3A_221 = vector.shape_cast %select_n3A_217 : vector<16xf32> to vector<16xf32>
    tpu.vector_store %arg8[%swap3A_218], %swap3A_221 {strides = array<i32>} : memref<128xf32, #tpu.memory_space<vmem>>, vector<16xf32>,
    %get3A_222 = arith.constant 80 : index
    %get3A_223 = tpu.vector_load %arg5[%get3A_222] {strides = array<i32>} : memref<128xi32, #tpu.memory_space<vmem>>, vector<16xi32>,
    %get3A_224 = vector.shape_cast %get3A_223 : vector<16xi32> to vector<16xi32>
    %get3A_225 = arith.constant 80 : index
    %get3A_226 = tpu.vector_load %arg7[%get3A_225] {strides = array<i32>} : memref<128xf32, #tpu.memory_space<vmem>>, vector<16xf32>,
    %get3A_227 = vector.shape_cast %get3A_226 : vector<16xf32> to vector<16xf32>
    %broadcast_in_dim3A_228 = arith.constant -0.899996876 : f32
    %broadcast_in_dim3A_229 = vector.broadcast %broadcast_in_dim3A_228 : f32 to vector<16xf32>
    %mul3A_230 = arith.mulf %get3A_227, %broadcast_in_dim3A_229 : vector<16xf32>
    %broadcast_in_dim3A_231 = arith.constant 0 : i32
    %broadcast_in_dim3A_232 = vector.broadcast %broadcast_in_dim3A_231 : i32 to vector<16xi32>
    %ne3A_233 = arith.cmpi ne, %get3A_224, %broadcast_in_dim3A_232 : vector<16xi32>
    %broadcast_in_dim3A_234 = arith.constant 0.000000e+00 : f32
    %broadcast_in_dim3A_235 = vector.broadcast %broadcast_in_dim3A_234 : f32 to vector<16xf32>
    %select_n3A_236 = arith.select %ne3A_233, %mul3A_230, %broadcast_in_dim3A_235 : vector<16xi1>, vector<16xf32>
    %swap3A_237 = arith.constant 80 : index
    %swap3A_238 = tpu.vector_load %arg8[%swap3A_237] {strides = array<i32>} : memref<128xf32, #tpu.memory_space<vmem>>, vector<16xf32>,
    %swap3A_239 = vector.shape_cast %swap3A_238 : vector<16xf32> to vector<16xf32>
    %swap3A_240 = vector.shape_cast %select_n3A_236 : vector<16xf32> to vector<16xf32>
    tpu.vector_store %arg8[%swap3A_237], %swap3A_240 {strides = array<i32>} : memref<128xf32, #tpu.memory_space<vmem>>, vector<16xf32>,
    %get3A_241 = arith.constant 96 : index
    %get3A_242 = tpu.vector_load %arg5[%get3A_241] {strides = array<i32>} : memref<128xi32, #tpu.memory_space<vmem>>, vector<16xi32>,
    %get3A_243 = vector.shape_cast %get3A_242 : vector<16xi32> to vector<16xi32>
    %get3A_244 = arith.constant 96 : index
    %get3A_245 = tpu.vector_load %arg7[%get3A_244] {strides = array<i32>} : memref<128xf32, #tpu.memory_space<vmem>>, vector<16xf32>,
    %get3A_246 = vector.shape_cast %get3A_245 : vector<16xf32> to vector<16xf32>
    %broadcast_in_dim3A_247 = arith.constant -0.899996876 : f32
    %broadcast_in_dim3A_248 = vector.broadcast %broadcast_in_dim3A_247 : f32 to vector<16xf32>
    %mul3A_249 = arith.mulf %get3A_246, %broadcast_in_dim3A_248 : vector<16xf32>
    %broadcast_in_dim3A_250 = arith.constant 0 : i32
    %broadcast_in_dim3A_251 = vector.broadcast %broadcast_in_dim3A_250 : i32 to vector<16xi32>
    %ne3A_252 = arith.cmpi ne, %get3A_243, %broadcast_in_dim3A_251 : vector<16xi32>
    %broadcast_in_dim3A_253 = arith.constant 0.000000e+00 : f32
    %broadcast_in_dim3A_254 = vector.broadcast %broadcast_in_dim3A_253 : f32 to vector<16xf32>
    %select_n3A_255 = arith.select %ne3A_252, %mul3A_249, %broadcast_in_dim3A_254 : vector<16xi1>, vector<16xf32>
    %swap3A_256 = arith.constant 96 : index
    %swap3A_257 = tpu.vector_load %arg8[%swap3A_256] {strides = array<i32>} : memref<128xf32, #tpu.memory_space<vmem>>, vector<16xf32>,
    %swap3A_258 = vector.shape_cast %swap3A_257 : vector<16xf32> to vector<16xf32>
    %swap3A_259 = vector.shape_cast %select_n3A_255 : vector<16xf32> to vector<16xf32>
    tpu.vector_store %arg8[%swap3A_256], %swap3A_259 {strides = array<i32>} : memref<128xf32, #tpu.memory_space<vmem>>, vector<16xf32>,
    %get3A_260 = arith.constant 112 : index
    %get3A_261 = tpu.vector_load %arg5[%get3A_260] {strides = array<i32>} : memref<128xi32, #tpu.memory_space<vmem>>, vector<16xi32>,
    %get3A_262 = vector.shape_cast %get3A_261 : vector<16xi32> to vector<16xi32>
    %get3A_263 = arith.constant 112 : index
    %get3A_264 = tpu.vector_load %arg7[%get3A_263] {strides = array<i32>} : memref<128xf32, #tpu.memory_space<vmem>>, vector<16xf32>,
    %get3A_265 = vector.shape_cast %get3A_264 : vector<16xf32> to vector<16xf32>
    %broadcast_in_dim3A_266 = arith.constant -0.899996876 : f32
    %broadcast_in_dim3A_267 = vector.broadcast %broadcast_in_dim3A_266 : f32 to vector<16xf32>
    %mul3A_268 = arith.mulf %get3A_265, %broadcast_in_dim3A_267 : vector<16xf32>
    %broadcast_in_dim3A_269 = arith.constant 0 : i32
    %broadcast_in_dim3A_270 = vector.broadcast %broadcast_in_dim3A_269 : i32 to vector<16xi32>
    %ne3A_271 = arith.cmpi ne, %get3A_262, %broadcast_in_dim3A_270 : vector<16xi32>
    %broadcast_in_dim3A_272 = arith.constant 0.000000e+00 : f32
    %broadcast_in_dim3A_273 = vector.broadcast %broadcast_in_dim3A_272 : f32 to vector<16xf32>
    %select_n3A_274 = arith.select %ne3A_271, %mul3A_268, %broadcast_in_dim3A_273 : vector<16xi1>, vector<16xf32>
    %swap3A_275 = arith.constant 112 : index
    %swap3A_276 = tpu.vector_load %arg8[%swap3A_275] {strides = array<i32>} : memref<128xf32, #tpu.memory_space<vmem>>, vector<16xf32>,
    %swap3A_277 = vector.shape_cast %swap3A_276 : vector<16xf32> to vector<16xf32>
    %swap3A_278 = vector.shape_cast %select_n3A_274 : vector<16xf32> to vector<16xf32>
    tpu.vector_store %arg8[%swap3A_275], %swap3A_278 {strides = array<i32>} : memref<128xf32, #tpu.memory_space<vmem>>, vector<16xf32>,
    "tpu.region"() ({
      %run_scoped3A = tpu.sem_alloc : memref<!tpu.dma_semaphore, #tpu.memory_space<semaphore_mem>>
      %dma_start3A_279 = tpu.memref_slice %arg4[%mul3A_2] : memref<2048xf32, #tpu.memory_space<hbm>> -> memref<128xf32, #tpu.memory_space<hbm>>
      %dma_start3A_280 = tpu.memref_slice %arg4[%mul3A_2] : memref<2048xf32, #tpu.memory_space<hbm>> -> memref<128xf32, #tpu.memory_space<hbm>>
      tpu.enqueue_dma source(%arg8 : memref<128xf32, #tpu.memory_space<vmem>>) target(%dma_start3A_280 : memref<128xf32, #tpu.memory_space<hbm>>) target_semaphore(%run_scoped3A : memref<!tpu.dma_semaphore, #tpu.memory_space<semaphore_mem>>)
      %dma_wait3A_281 = tpu.memref_slice %arg4[%mul3A_2] : memref<2048xf32, #tpu.memory_space<hbm>> -> memref<128xf32, #tpu.memory_space<hbm>>
      %dma_wait3A_282 = tpu.memref_slice %arg4[%mul3A_2] : memref<2048xf32, #tpu.memory_space<hbm>> -> memref<128xf32, #tpu.memory_space<hbm>>
      tpu.wait_dma2 semaphore(%run_scoped3A : memref<!tpu.dma_semaphore, #tpu.memory_space<semaphore_mem>>) src(%arg8 : memref<128xf32, #tpu.memory_space<vmem>>) dst(%dma_wait3A_282 : memref<128xf32, #tpu.memory_space<hbm>>)
      tpu.yield
    }) : () -> ()
    return
  }
}

</mosaic_0001>

<sc_bundles>
// kernel: kernel.3.cloned.1.call-start
scs
__scs_entry_jumppad:
0x0: {  	(pc) =	sbr.rel $0x88, $3  }
0x1: {  	(tag) =	ssettag $0x0;
	lr =	simm.s32 $0x1  }
0x2: {  	[smem:$0x3F9F] =	sst lr;
	_ =	strace $0xD0000000  }
0x3: {  	_ = 	snop  }
0x4: {  	_ = 	snop  }
0x5: {  	_ = 	snop  }
0x6: {  	_ = 	snop  }
0x7: {  	_ = 	snop  }
__scs_overlays_trampoline_lowered:
0x8: {  	[smem:$0x3FAE] =	sst s0  }
0x9: {  	[smem:$0x3FAF] =	sst s1  }
0xa: {  	[smem:$0x3FB0] =	sst s2  }
0xb: {  	[smem:$0x3FB1] =	sst s3  }
0xc: {  	[smem:$0x3FB2] =	sst s4  }
0xd: {  	[smem:$0x3FB3] =	sst s5  }
0xe: {  	[smem:$0x3FB4] =	sst s6  }
0xf: {  	[smem:$0x3FB5] =	sst s7  }
0x10: {  	[smem:$0x3FB6] =	sst s8  }
0x11: {  	[smem:$0x3FB7] =	sst s9;
	s0 =	simm.s32 @!p0 $0x0  }
0x12: {  	s1 =	sld [smem:$0x3F9D];
	s0 =	simm.s32 @p0 $0x1  }
0x13: {  	[smem:$0x3FB8] =	sst s0;
	s0 =	simm.s32 @!p1 $0x0  }
0x14: {  	s2 =	sld [smem:$0x3F9C];
	s0 =	simm.s32 @p1 $0x1  }
0x15: {  	[smem:$0x3FB9] =	sst s0;
	s0 =	simm.s32 @!p2 $0x0  }
0x16: {  	s3 =	sld [smem:$0x3FDB];
	s0 =	simm.s32 @p2 $0x1  }
0x17: {  	s4 =	simm.s32 $0x1BF5;
	[smem:$0x3FBB] =	sst s0  }
0x18: {  	s0 =	sld [smem:$0x3F9E];
	_ =	swait.ge [sflag:s4], $0x0  }
0x19: {  	s7 =	sld [smem:$0x3F9F]  }
0x1a: {  	s8 =	sadd.s32 $0xFFFFE003, lr  }
0x1b: {  	s9 =	sadd.s32 $0xFFFFFEF7, lr;
	s5 =	simm.s32 $0xFFFFFFFF;
	p2 =	slt.u32 s8, $0xFFFFF086  }
0x1c: {  	p1 =	slt.u32 s9, $0xF7A;
	s5 =	simm.s32 @!p2 $0x0  }
0x1d: {  	s5 =	simm.s32 @p1 $0x1;
	p0 =	seq.s32 s7, s2  }
0x1e: {  	s7 =	smul.u32 @!p0 $0xF7A, s2;
	p2 =	seq.s32 @!p0 s5, $0x0  }
0x1f: {  	s9 =	smul.u32 $0xF7A, s1;
	s8 =	simm.s32 @!p0 $0x1BF5;
	p2 =	por !p2, p0  }
0x20: {  	[sflag:s8] =	ssyncset.s32 @!p0 $0xFFFFF086;
	s6 =	sadd.s32 @!p0 s3, s7;
	s7 =	simm.s32 @!p0 $0x108  }
0x21: {  	s3 =	sadd.s32 s3, s9;
	s6 =	sadd.s32 @!p0 $0x88, s6;
	s7 =	simm.s32 @p2 $0x1082  }
0x22: {  	[simem:s7], [sflag:s8] =	dma.local @!p0 [hbm:s6], $0xF7A  }
0x23: {  	s9 =	sor.u32 $0xD0000000, s2;
	s6 =	simm.s32 $0x108;
	_ =	swait.ge @!p0 [sflag:s8], $0x0  }
0x24: {  	s3 =	sadd.s32 $0x88, s3;
	s6 =	simm.s32 @!p1 $0x1082;
	[sflag:s4] =	ssyncset.s32 $0xFFFFF086  }
0x25: {  	[simem:s6], [sflag:s4] =	dma.local [hbm:s3], $0xF7A  }
0x26: {  	[smem:$0x3F9F] =	sst s1;
	(tag) =	ssettag s2;
	_ =	strace s9  }
0x27: {  	s1 =	sld [smem:$0x3FAF]  }
0x28: {  	s2 =	sld [smem:$0x3FB0]  }
0x29: {  	s4 =	sld [smem:$0x3FB2]  }
0x2a: {  	p0 =	seq.s32 s5, $0x0;
	s5 =	sld [smem:$0x3FB3]  }
0x2b: {  	s6 =	sld [smem:$0x3FB4]  }
0x2c: {  	s7 =	sld [smem:$0x3FB5]  }
0x2d: {  	s3 =	simm.s32 $0x108;
	s8 =	sld [smem:$0x3FB6]  }
0x2e: {  	s3 =	simm.s32 @!p0 $0x1082;
	s9 =	sld [smem:$0x3FB7]  }
0x2f: {  	lr =	sadd.s32 s0, s3;
	s0 =	sld [smem:$0x3FAE]  }
0x30: {  	s3 =	sld [smem:$0x3FB1]  }
0x31: {  	[smem:$0x3FBA] =	sst s10  }
0x32: {  	s10 =	sld [smem:$0x3FB8];
	_ =	sdelay $0x3  }
0x33: {  	p0 =	seq.s32 s10, $0x1;
	s10 =	sld [smem:$0x3FBA];
	_ =	sdelay $0x3  }
0x34: {  	[smem:$0x3FBA] =	sst s10  }
0x35: {  	s10 =	sld [smem:$0x3FB9];
	_ =	sdelay $0x3  }
0x36: {  	p1 =	seq.s32 s10, $0x1;
	s10 =	sld [smem:$0x3FBA];
	_ =	sdelay $0x3  }
0x37: {  	[smem:$0x3FBA] =	sst s10  }
0x38: {  	s10 =	sld [smem:$0x3FBB]  }
0x39: {  	_ = 	snop;
	(pc) =	sbr.ind lr, $3  }
0x3a: {  	_ = 	snop  }
0x3b: {  	_ = 	snop  }
0x3c: {  	p2 =	seq.s32 s10, $0x1;
	s10 =	sld [smem:$0x3FBA]  }
0x3d: {  	_ =	shalt  }
0x3e: {  	_ =	shalt  }
0x3f: {  	_ =	shalt  }
0x40: {  	_ =	shalt  }
0x41: {  	_ =	shalt  }
0x42: {  	_ =	shalt  }
0x43: {  	_ =	shalt  }
0x44: {  	_ =	shalt  }
0x45: {  	_ =	shalt  }
0x46: {  	_ =	shalt  }
0x47: {  	_ =	shalt  }
0x48: {  	_ =	shalt  }
0x49: {  	_ =	shalt  }
0x4a: {  	_ =	shalt  }
0x4b: {  	_ =	shalt  }
0x4c: {  	_ =	shalt  }
0x4d: {  	_ =	shalt  }
0x4e: {  	_ =	shalt  }
0x4f: {  	_ =	shalt  }
0x50: {  	_ =	shalt  }
0x51: {  	_ =	shalt  }
0x52: {  	_ =	shalt  }
0x53: {  	_ =	shalt  }
0x54: {  	_ =	shalt  }
0x55: {  	_ =	shalt  }
0x56: {  	_ =	shalt  }
0x57: {  	_ =	shalt  }
0x58: {  	_ =	shalt  }
0x59: {  	_ =	shalt  }
0x5a: {  	_ =	shalt  }
0x5b: {  	_ =	shalt  }
0x5c: {  	_ =	shalt  }
0x5d: {  	_ =	shalt  }
0x5e: {  	_ =	shalt  }
0x5f: {  	_ =	shalt  }
0x60: {  	_ =	shalt  }
0x61: {  	_ =	shalt  }
0x62: {  	_ =	shalt  }
0x63: {  	_ =	shalt  }
0x64: {  	_ =	shalt  }
0x65: {  	_ =	shalt  }
0x66: {  	_ =	shalt  }
0x67: {  	_ =	shalt  }
0x68: {  	_ =	shalt  }
0x69: {  	_ =	shalt  }
0x6a: {  	_ =	shalt  }
0x6b: {  	_ =	shalt  }
0x6c: {  	_ =	shalt  }
0x6d: {  	_ =	shalt  }
0x6e: {  	_ =	shalt  }
0x6f: {  	_ =	shalt  }
0x70: {  	_ =	shalt  }
0x71: {  	_ =	shalt  }
0x72: {  	_ =	shalt  }
0x73: {  	_ =	shalt  }
0x74: {  	_ =	shalt  }
0x75: {  	_ =	shalt  }
0x76: {  	_ =	shalt  }
0x77: {  	_ =	shalt  }
0x78: {  	_ =	shalt  }
0x79: {  	_ =	shalt  }
0x7a: {  	_ =	shalt  }
0x7b: {  	_ =	shalt  }
0x7c: {  	_ =	shalt  }
0x7d: {  	_ =	shalt  }
0x7e: {  	_ =	shalt  }
0x7f: {  	_ =	shalt  }
0x80: {  	_ =	shalt  }
0x81: {  	_ =	shalt  }
0x82: {  	_ =	shalt  }
0x83: {  	_ =	shalt  }
0x84: {  	_ =	shalt  }
0x85: {  	_ =	shalt  }
0x86: {  	_ =	shalt  }
0x87: {  	_ =	shalt  }
.Lfunc_end0:
.L_simem_size_0:
called_computation_lowered:
.L_overlay_start_0:
0x88: {  	s0 =	sld [smem:$0x3FD9]  }
0x89: {  	s1 =	sld [smem:$0x3FFE];
	_ =	sdelay $0x3  }
0x8a: {  	s0 =	sadd.s32 s1, s0  }
0x8b: {  	[smem:$0x3FC6] =	sst s0  }
0x8c: {  	_ = 	snop  }
0x8d: {  	s0 =	sld [smem:$0x3FC8];
	(tm) =	ssettm $0x1  }
0x8e: {  	s16 =	sld [smem:$0x3FFB];
	_ =	sdelay $0x3  }
0x8f: {  	_ =	strace s16  }
0x90: {  	s1 =	sld [smem:$0x3FFC];
	_ =	sdelay $0x3  }
0x91: {  	_ =	strace s1  }
0x92: {  	s1 =	sld [smem:$0x3FFD];
	_ =	sdelay $0x3  }
0x93: {  	_ =	strace s1  }
0x94: {  	_ =	strace $0x8FFFFFFF  }
0x95: {  	s17 =	sld [smem:$0x3FDB];
	_ =	sdelay $0x1  }
0x96: {  	s2 =	simm.s32 $_scs_section_size  }
0x97: {  	s3 =	simm.s32 $_size__tile_overlayer_lowered;
	s4 =	simm.s32 $_tile_overlayer_lowered  }
0x98: {  	s20 =	simm.s32 $0x1BFF;
	s19 =	sshll.u32 s4, $0x1;
	s1 =	sadd.s32 s2, s17  }
0x99: {  	s5 =	simm.s32 $0x0;
	s18 =	sshll.u32 s3, $0x1;
	s3 =	sadd.s32 s19, s1  }
0x9a: {  	[timem:s5], [sflag:s20] =	dma.local [hbm:s3], s18  }
0x9b: {  	_ =	swait.ge [sflag:s20], s18  }
0x9c: {  	s2 =	ssub.s32 $0x0, s18;
	[sflag:s20] =	ssyncset.done $0x0  }
0x9d: {  	[sflag:s20] =	ssyncadd.s32 s2;
	_ =	sdelay $0x1  }
0x9e: {  	s21 =	simm.s32 $0x1B8B  }
0x9f: {  	_ =	swait.ge [sflag:s21], $0x1  }
0xa0: {  	[sflag:s21] =	ssyncset.done $0x0  }
0xa1: {  	s23 =	simm.s32 $0x1B8E;
	s22 =	sld [smem:$0x3FFE];
	[sflag:s21] =	ssyncadd.s32 $0xFFFFFFFF  }
0xa2: {  	s24 =	simm.s32 $execute0_lowered;
	[smem:$0x3FD2] =	sst s23  }
0xa3: {  	s3 =	sshll.u32 s24, $0x1;
	_ =	strace $0x80000046;
	[dreg:$0x1] =	wrdreg $0xFFFFFFFF  }
0xa4: {  	s25 =	simm.s32 $_size_execute0_lowered;
	s1 =	sadd.s32 s1, s3;
	[dreg:$0x0] =	wrdreg $0x0  }
0xa5: {  	s3 =	sshll.u32 s25, $0x1;
	[dreg:$0x2] =	wrdreg s1  }
0xa6: {  	[dreg:$0x3] =	wrdreg s3  }
0xa7: {  	[dreg:$0x4] =	wrdreg $0xC0  }
0xa8: {  	_ =	task [dreg:s5], $0x5FFFF  }
0xa9: {  	[dreg:$0x1] =	wrdreg $0xFFFFFFFF  }
0xaa: {  	[dreg:$0x0] =	wrdreg $0x60  }
0xab: {  	[dreg:$0x2] =	wrdreg s0  }
0xac: {  	[dreg:$0x3] =	wrdreg s22  }
0xad: {  	[dreg:$0x4] =	wrdreg $0x9  }
0xae: {  	_ =	task.clear_ibuf [dreg:s5], $0x5FFFF;
	_ =	strace $0x90000046  }
0xaf: {  	s26 =	simm.s32 $0x9;
	_ =	strace $0x80000048  }
0xb0: {  	_ =	swait.ge [sflag:s26], $0x1  }
0xb1: {  	[sflag:s26] =	ssyncadd.s32 $0xFFFFFFFF  }
0xb2: {  	_ =	strace $0x90000048  }
0xb3: {  	_ =	sfence  }
0xb4: {  	s28 =	sld [smem:$0x0];
	_ =	sdelay $0x1  }
0xb5: {  	s29 =	srdreg.scid  }
0xb6: {  	s30 =	sshll.u32 s29, $0xD;
	s31 =	sshrl.u32 s29, $0x2  }
0xb7: {  	s2 =	sand.u32 $0x4000, s30;
	s1 =	sand.u32 $0x1, s29;
	s0 =	sadd.s32 s31, s28  }
0xb8: {  	s1 =	sor.u32 s2, s1;
	s0 =	sshll.u32 s0, $0x11  }
0xb9: {  	s0 =	sor.u32 s0, s1  }
0xba: {  	s0 =	sadd.s32 $0x8F2B, s0  }
0xbb: {  	[sflag:s0] =	ssyncadd.remote.s32 $0x1  }
0xbc: {  	_ =	sfence.sel $0xFFFF  }
0xbd: {  	[dreg:$0x0] =	wrdreg $0xFFFFFFFF;
	(pc) =	sbr.abs _section_cstart, $3  }
0xbe: {  	[dreg:$0x1] =	wrdreg $0xFFFFFFFF  }
0xbf: {  	_ =	task.clear_ibuf [dreg:s5], $0x2FFFF;
	_ =	strace $0x9FFFFFFF  }
0xc0: {  	(tm) =	ssettm $0x7FFFFFFF  }
0xc1: {  	_ =	shalt  }
tec
execute0_lowered:
.L_overlay_start_1:
0x0: {  	(tag) =	ssettag $0x1  }
0x1: {  	s4 =	rddreg [dreg:$0x0]  }
0x2: {  	s3 =	rddreg [dreg:$0x1]  }
0x3: {  	s0 =	rddreg [dreg:$0x2];
	s2 =	simm.s32 $0x0;
	s1 =	stileid.u32  }
0x4: {  	[smem:$0x7FF] =	sst s2;
	s5 =	sshll.u32 s1, $0x4  }
0x5: {  	s21 =	simm.s32 $0x2;
	_ =	strace $0x80000047;
	s4 =	sadd.s32 s4, s5  }
0x6: {  	[tilespmem:s2], [sflag:$0x2] =	stream.linear.gather [hbm4b:s4+s2], $0x80, $0x38;
	[tilespmem:$0x200] =	vst v63  }
0x7: {  	s6 =	sshll.u32 s1, $0x7;
	_ =	swait.ge [sflag:s21], $0x80  }
0x8: {  	v6 =	vlaneseq.u32;
	v0 =	vmov s6;
	s7 =	sor.u32 $0x10, s6;
	[sflag:s21] =	ssyncset.done $0x0  }
0x9: {  	v6 =	vmul.u32 $0x7D00, v6;
	s22 =	sor.u32 $0x20, s6;
	s23 =	sor.u32 $0x30, s6;
	v0 =	vmul.u32 $0x7D00, v0;
	[sflag:s21] =	ssyncadd.s32 $0xFFFFFF80  }
0xa: {  	s24 =	sor.u32 $0x40, s6;
	s25 =	sor.u32 $0x50, s6;
	s26 =	sor.u32 $0x60, s6;
	v2 =	vmov s7;
	v4 =	vmov s22;
	v16 =	vmov s23;
	v1 =	vld [tilespmem:$0x0]  }
0xb: {  	s6 =	sor.u32 $0x70, s6;
	v19 =	vmov s24;
	v8 =	vmov s25;
	v10 =	vmov s26;
	v3 =	vld [tilespmem:$0x10]  }
0xc: {  	v22 =	vmov s6;
	v2 =	vmul.u32 $0x7D00, v2;
	v4 =	vmul.u32 $0x7D00, v4;
	v5 =	vld [tilespmem:$0x20]  }
0xd: {  	v17 =	vmul.u32 $0x7D00, v16;
	v8 =	vmul.u32 $0x7D00, v8;
	v0 =	vbroadcast v0, $0x0;
	v9 =	vld [tilespmem:$0x50]  }
0xe: {  	v21 =	vmul.u32 $0x7D00, v10;
	v25 =	vmul.u32 $0x7D00, v22;
	v2 =	vbroadcast v2, $0x0;
	v11 =	vld [tilespmem:$0x60]  }
0xf: {  	v15 =	vbroadcast v4, $0x0;
	v24 =	vbroadcast v8, $0x0;
	v12 =	vld [tilespmem:$0x70];
	v0 =	vadd.s32 v1, v0  }
0x10: {  	v27 =	vbroadcast v21, $0x0;
	v18 =	vld [tilespmem:$0x30];
	v2 =	vadd.s32 v3, v2;
	v0 =	vadd.s32 v6, v0  }
0x11: {  	v29 =	vbroadcast v25, $0x0;
	v7 =	vld [tilespmem:$0x40];
	v1 =	vadd.s32 v5, v15;
	v2 =	vadd.s32 v6, v2;
	[tilespmem:$0x80] =	vst v0  }
0x12: {  	v5 =	vmul.u32 $0x7D00, v19;
	v28 =	vadd.s32 v9, v24;
	v1 =	vadd.s32 v6, v1;
	[tilespmem:$0x90] =	vst v2  }
0x13: {  	v3 =	vbroadcast v17, $0x0;
	v31 =	vadd.s32 v11, v27;
	v30 =	vadd.s32 v6, v28;
	[tilespmem:$0xA0] =	vst v1  }
0x14: {  	v33 =	vadd.s32 v12, v29;
	v32 =	vadd.s32 v6, v31;
	v20 =	vbroadcast v5, $0x0;
	[tilespmem:$0xD0] =	vst v30  }
0x15: {  	v34 =	vadd.s32 v6, v33;
	v23 =	vadd.s32 v18, v3;
	[tilespmem:$0xE0] =	vst v32  }
0x16: {  	[tilespmem:$0xF0] =	vst v34;
	v26 =	vadd.s32 v6, v23;
	v0 =	vadd.s32 v7, v20  }
0x17: {  	[tilespmem:$0xB0] =	vst v26;
	v0 =	vadd.s32 v6, v0  }
0x18: {  	s28 =	simm.s32 $0x80;
	s29 =	simm.s32 $0x100;
	s30 =	simm.s32 $0x1;
	[tilespmem:$0xC0] =	vst v0  }
0x19: {  	[tilespmem:s29], [sflag:$0x1] =	stream.indirect.gather [hbm4b:s3+s28], $0x1, s28, s28, $0xb8;
	[tilespmem:$0x200] =	vst v63  }
0x1a: {  	_ =	swait.ge [sflag:s30], $0x80  }
0x1b: {  	[sflag:s30] =	ssyncset.done $0x0  }
0x1c: {  	[sflag:s30] =	ssyncadd.s32 $0xFFFFFF80  }
0x1d: {  	v35 =	vld [tilespmem:$0x0]  }
0x1e: {  	v36 =	vld [tilespmem:$0x100]  }
0x1f: {  	v37 =	vld [tilespmem:$0x10]  }
0x20: {  	v38 =	vld [tilespmem:$0x110]  }
0x21: {  	v39 =	vld [tilespmem:$0x20]  }
0x22: {  	v40 =	vld [tilespmem:$0x120]  }
0x23: {  	v41 =	vld [tilespmem:$0x30]  }
0x24: {  	v42 =	vld [tilespmem:$0x130]  }
0x25: {  	v43 =	vld [tilespmem:$0x40]  }
0x26: {  	v44 =	vld [tilespmem:$0x140]  }
0x27: {  	v45 =	vld [tilespmem:$0x50]  }
0x28: {  	v46 =	vld [tilespmem:$0x150]  }
0x29: {  	v47 =	vld [tilespmem:$0x60];
	v1 =	vmul.f32 $-8.999968760e-01, v36  }
0x2a: {  	v49 =	vld [tilespmem:$0x160];
	vm0 =	veq.s32 v35, $0x0;
	v48 =	vmul.f32 $-8.999968760e-01, v38  }
0x2b: {  	v51 =	vld [tilespmem:$0x170];
	vm9 =	veq.s32 v37, $0x0;
	v50 =	vmul.f32 $-8.999968760e-01, v40;
	v1 =	vsel vm0, $0x0, v1  }
0x2c: {  	v53 =	vld [tilespmem:$0x70];
	vm10 =	veq.s32 v39, $0x0;
	v52 =	vmul.f32 $-8.999968760e-01, v42;
	v0 =	vsel vm9, $0x0, v48;
	[tilespmem:$0x180] =	vst v1  }
0x2d: {  	vm11 =	veq.s32 v41, $0x0;
	v55 =	vmul.f32 $-8.999968760e-01, v44;
	v54 =	vsel vm10, $0x0, v50;
	[tilespmem:$0x190] =	vst v0  }
0x2e: {  	vm12 =	veq.s32 v43, $0x0;
	v57 =	vmul.f32 $-8.999968760e-01, v46;
	v56 =	vsel vm11, $0x0, v52;
	[tilespmem:$0x1A0] =	vst v54  }
0x2f: {  	vm13 =	veq.s32 v45, $0x0;
	v59 =	vmul.f32 $-8.999968760e-01, v49;
	v58 =	vsel vm12, $0x0, v55;
	[tilespmem:$0x1B0] =	vst v56  }
0x30: {  	vm14 =	veq.s32 v47, $0x0;
	v61 =	vmul.f32 $-8.999968760e-01, v51;
	v60 =	vsel vm13, $0x0, v57;
	[tilespmem:$0x1C0] =	vst v58  }
0x31: {  	vm15 =	veq.s32 v53, $0x0;
	v62 =	vsel vm14, $0x0, v59;
	[tilespmem:$0x1D0] =	vst v60  }
0x32: {  	s3 =	sadd.s32 s5, s3;
	v63 =	vsel vm15, $0x0, v61;
	[tilespmem:$0x1E0] =	vst v62  }
0x33: {  	s31 =	simm.s32 $0x180;
	s3 =	sadd.s32 $0x7D0000, s3;
	[tilespmem:$0x1F0] =	vst v63  }
0x34: {  	[hbm4b:s3+s2] =	stream.linear.scatter [tilespmem:s31], [sflag:$0x2], $0x80, $0x38;
	[tilespmem:$0x200] =	vst v63  }
0x35: {  	_ =	swait.ge [sflag:s21], $0x80  }
0x36: {  	[sflag:s21] =	ssyncset.done $0x0  }
0x37: {  	[sflag:s21] =	ssyncadd.s32 $0xFFFFFF80  }
0x38: {  	_ =	sfence.sel $0x180000  }
0x39: {  	[bflag:$0x0] =	sbarrier.arrive $0xFFFF  }
0x3a: {  	p0 =	sne.s32 s1, $0x0;
	_ =	strace $0x90000047  }
0x3b: {  	s0 =	sadd.s32 @!p0 $0x100000, s0;
	[bflag:$0x2] =	sbarrier.arrive $0xFFFF  }
0x3c: {  	[sflag:s0] =	ssyncadd.tile.s32 @!p0 $0x1;
	_ =	shalt  }
.Lfunc_end2:
_tile_overlayer_lowered:
.L_overlay_start_2:
0x3d: {  	(tag) =	ssettag $0x2  }
0x3e: {  	s0 =	rddreg [dreg:$0x0];
	s2 =	stileid.u32  }
0x3f: {  	s1 =	rddreg [dreg:$0x1];
	p0 =	sne.s32 s2, $0x0  }
0x40: {  	s3 =	rddreg [dreg:$0x2];
	[bflag:$0x3] =	sbarrier.arrive $0xFFFF;
	s2 =	simm.s32 @!p0 $0x1C02  }
0x41: {  	[timem:s3], [sflag:s2] =	dma.local @!p0 [hbm:s0], s1  }
0x42: {  	s0 =	simm.s32 @!p0 $0x2  }
0x43: {  	_ =	swait.ge @!p0 [sflag:s0], s1  }
0x44: {  	s1 =	ssub.s32 @!p0 $0x0, s1;
	[sflag:s0] =	ssyncset.done @!p0 $0x0  }
0x45: {  	[sflag:s0] =	ssyncadd.s32 @!p0 s1  }
0x46: {  	[bflag:$0x3] =	sbarrier.arrive $0xFFFF  }
0x47: {  	_ =	shalt  }

</sc_bundles>
